<compile_context>
chip_gen: v7x
topology: tpu7x:2x2x1
jax: 0.10.2.dev20260603
libtpu: 0.0.44.dev20260713+nightly
codegen_flags: <defaults>
</compile_context>

<pallas_src>
import functools

import jax
import jax.numpy as jnp
from jax import lax
from jax.experimental import pallas as pl
from jax.experimental.pallas import tpu as pltpu
from jax.experimental.pallas import tpu_sc as plsc


def _sc_gather(ids, embed_table, S, H):
    info = plsc.get_sparse_core_info()
    NC, NS = info.num_cores, info.num_subcores
    NW = NC * NS
    b_per_w = S // NW
    CH = 16
    NCH = b_per_w // CH

    mesh = plsc.VectorSubcoreMesh(core_axis_name="c", subcore_axis_name="s")

    @functools.partial(
        pl.kernel,
        mesh=mesh,
        out_type=jax.ShapeDtypeStruct((S, H), jnp.float32),
        scratch_types=[
            pltpu.VMEM((NCH * CH,), jnp.int32),
            pltpu.VMEM((CH, H), jnp.float32),
            pltpu.VMEM((CH, H), jnp.float32),
            pltpu.SemaphoreType.DMA,
            pltpu.SemaphoreType.DMA,
        ],
    )
    def gather_kernel(idx_hbm, table_hbm, out_hbm, idx_v, buf0, buf1, sem0, sem1):
        wid = lax.axis_index("s") * NC + lax.axis_index("c")
        base = wid * b_per_w
        pltpu.sync_copy(idx_hbm.at[pl.ds(base, b_per_w)], idx_v)
        bufs = (buf0, buf1)
        sems = (sem0, sem1)
        cps = [None] * NCH
        cps[0] = pltpu.async_copy(
            table_hbm.at[idx_v.at[pl.ds(0, CH)]], buf0, sem0
        )
        for c in range(NCH):
            nxt = c + 1
            if nxt < NCH:
                cps[nxt] = pltpu.async_copy(
                    table_hbm.at[idx_v.at[pl.ds(nxt * CH, CH)]],
                    bufs[nxt % 2],
                    sems[nxt % 2],
                )
            cps[c].wait()
            pltpu.sync_copy(bufs[c % 2], out_hbm.at[pl.ds(base + c * CH, CH)])

    return gather_kernel(ids, embed_table)


def _tc_matmul(x, W, b2, S, H):
    BS = 1024

    def mm_body(x_ref, w_ref, b_ref, y_ref):
        y_ref[...] = (
            lax.dot_general(
                x_ref[...],
                w_ref[...],
                (((1,), (1,)), ((), ())),
                preferred_element_type=jnp.float32,
            )
            + b_ref[...]
        )

    return pl.pallas_call(
        mm_body,
        grid=(S // BS,),
        in_specs=[
            pl.BlockSpec((BS, H), lambda i: (i, 0)),
            pl.BlockSpec((H, H), lambda i: (0, 0)),
            pl.BlockSpec((1, H), lambda i: (0, 0)),
        ],
        out_specs=pl.BlockSpec((BS, H), lambda i: (i, 0)),
        out_shape=jax.ShapeDtypeStruct((S, H), jnp.float32),
    )(x, W, b2)


def kernel(input_ids, embed_table, W, b):
    B, S = input_ids.shape
    V, H = embed_table.shape
    SR = B * S
    ids_flat = input_ids.reshape(SR).astype(jnp.int32)
    x = _sc_gather(ids_flat, embed_table, SR, H)
    y = _tc_matmul(x, W, b.reshape(1, H), SR, H)
    return y.reshape(B, S, H)

# --- scband reference (transcript-rebuilt; emitter-appended) ---
"""Pipeline reference for scband-input-proj-21689584844800 (READ-ONLY COPY).

The authoritative reference and input builder live on the scoring server;
editing this copy changes nothing except your own understanding.
"""

import jax, jax.numpy as jnp
import numpy as np

VOCAB = 100000
HIDDEN = 2048
BATCH = 1
SEQ = 2048

def setup_inputs(seed: int = 0) -> dict:
    key = jax.random.key(seed)
    k1, k2, k3 = jax.random.split(key, 3)
    input_ids = jax.random.randint(k1, (BATCH, SEQ), 0, VOCAB)
    embed_table = jax.random.normal(k2, (VOCAB, HIDDEN), dtype=jnp.float32) * 0.02
    W = jax.random.normal(k3, (HIDDEN, HIDDEN), dtype=jnp.float32) * 0.02
    b = jnp.zeros((HIDDEN,), dtype=jnp.float32)
    return {"input_ids": input_ids, "embed_table": embed_table, "W": W, "b": b}

def reference(input_ids, embed_table, W, b):
    # nn.Embedding: gather rows by token id
    x = jnp.take(embed_table, input_ids, axis=0)  # [B, S, H]
    # nn.Linear: y = x @ W^T + b
    y = jnp.einsum("bsh,oh->bso", x, W) + b
    return y

if __name__ == "__main__":
    import jax
    _d = setup_inputs()
    print(jax.jit(kernel)(*tuple(_d.values())))

</pallas_src>

<mosaic_0001>
#map = affine_map<(d0, d1) -> (0)>
#map1 = affine_map<(d0, d1) -> (0, 0)>
module attributes {stable_mosaic.version = 14 : i64} {
  func.func @gather_kernel(%arg0: i32, %arg1: i32, %arg2: memref<2048xi32, #tpu.memory_space<hbm>>, %arg3: memref<100000x2048xf32, #tpu.memory_space<hbm>>, %arg4: memref<2048x2048xf32, #tpu.memory_space<hbm>>, %arg5: memref<64xi32, #tpu.memory_space<vmem>>, %arg6: memref<16x2048xf32, #tpu.memory_space<vmem>>, %arg7: memref<16x2048xf32, #tpu.memory_space<vmem>>, %arg8: memref<!tpu.dma_semaphore, #tpu.memory_space<semaphore_mem>>, %arg9: memref<!tpu.dma_semaphore, #tpu.memory_space<semaphore_mem>>) attributes {dimension_semantics = [#tpu.dimension_semantics<core_parallel>, #tpu.dimension_semantics<subcore_parallel>], iteration_bounds = array<i64: 2, 16>, scalar_prefetch = 0 : i64, scratch_operands = 5 : i64, tpu.core_type = #tpu.core_type<sc_vector_subcore>, window_params = [{transform_indices = #map}, {transform_indices = #map1}, {transform_indices = #map1}]} {
    %mul3A = arith.constant 2 : i32
    %mul3A_0 = arith.muli %arg1, %mul3A : i32
    %add3A = arith.addi %mul3A_0, %arg0 : i32
    %mul3A_1 = arith.constant 64 : i32
    %mul3A_2 = arith.muli %add3A, %mul3A_1 : i32
    "tpu.region"() ({
      %run_scoped3A = tpu.sem_alloc : memref<!tpu.dma_semaphore, #tpu.memory_space<semaphore_mem>>
      %dma_start3A_49 = tpu.memref_slice %arg2[%mul3A_2] : memref<2048xi32, #tpu.memory_space<hbm>> -> memref<64xi32, #tpu.memory_space<hbm>>
      %dma_start3A_50 = tpu.memref_slice %arg2[%mul3A_2] : memref<2048xi32, #tpu.memory_space<hbm>> -> memref<64xi32, #tpu.memory_space<hbm>>
      tpu.enqueue_dma source(%dma_start3A_50 : memref<64xi32, #tpu.memory_space<hbm>>) target(%arg5 : memref<64xi32, #tpu.memory_space<vmem>>) target_semaphore(%run_scoped3A : memref<!tpu.dma_semaphore, #tpu.memory_space<semaphore_mem>>)
      %dma_wait3A_51 = tpu.memref_slice %arg2[%mul3A_2] : memref<2048xi32, #tpu.memory_space<hbm>> -> memref<64xi32, #tpu.memory_space<hbm>>
      %dma_wait3A_52 = tpu.memref_slice %arg2[%mul3A_2] : memref<2048xi32, #tpu.memory_space<hbm>> -> memref<64xi32, #tpu.memory_space<hbm>>
      tpu.wait_dma2 semaphore(%run_scoped3A : memref<!tpu.dma_semaphore, #tpu.memory_space<semaphore_mem>>) src(%dma_wait3A_52 : memref<64xi32, #tpu.memory_space<hbm>>) dst(%arg5 : memref<64xi32, #tpu.memory_space<vmem>>)
      tpu.yield
    }) : () -> ()
    %dma_start3A = arith.constant 0 : i32
    %dma_start3A_3 = tpu.memref_slice %arg5[%dma_start3A] : memref<64xi32, #tpu.memory_space<vmem>> -> memref<16xi32, #tpu.memory_space<vmem>>
    %dma_start3A_4 = arith.constant 0 : i32
    %dma_start3A_5 = arith.constant 0 : i32
    %dma_start3A_6 = tpu.memref_slice %arg3[%dma_start3A_4, %dma_start3A_5] : memref<100000x2048xf32, #tpu.memory_space<hbm>> -> memref<100000x2048xf32, #tpu.memory_space<hbm>>
    tpu.enqueue_indirect_dma source(%dma_start3A_6 : memref<100000x2048xf32, #tpu.memory_space<hbm>>) target(%arg6 : memref<16x2048xf32, #tpu.memory_space<vmem>>) offsets(%dma_start3A_3 : memref<16xi32, #tpu.memory_space<vmem>>) semaphore(%arg8 : memref<!tpu.dma_semaphore, #tpu.memory_space<semaphore_mem>>)
    %dma_start3A_7 = arith.constant 16 : i32
    %dma_start3A_8 = tpu.memref_slice %arg5[%dma_start3A_7] : memref<64xi32, #tpu.memory_space<vmem>> -> memref<16xi32, #tpu.memory_space<vmem>>
    %dma_start3A_9 = arith.constant 0 : i32
    %dma_start3A_10 = arith.constant 0 : i32
    %dma_start3A_11 = tpu.memref_slice %arg3[%dma_start3A_9, %dma_start3A_10] : memref<100000x2048xf32, #tpu.memory_space<hbm>> -> memref<100000x2048xf32, #tpu.memory_space<hbm>>
    tpu.enqueue_indirect_dma source(%dma_start3A_11 : memref<100000x2048xf32, #tpu.memory_space<hbm>>) target(%arg7 : memref<16x2048xf32, #tpu.memory_space<vmem>>) offsets(%dma_start3A_8 : memref<16xi32, #tpu.memory_space<vmem>>) semaphore(%arg9 : memref<!tpu.dma_semaphore, #tpu.memory_space<semaphore_mem>>)
    %dma_wait3A = arith.constant 0 : i32
    %dma_wait3A_12 = tpu.memref_slice %arg5[%dma_wait3A] : memref<64xi32, #tpu.memory_space<vmem>> -> memref<16xi32, #tpu.memory_space<vmem>>
    %dma_wait3A_13 = arith.constant 0 : i32
    %dma_wait3A_14 = arith.constant 0 : i32
    %dma_wait3A_15 = tpu.memref_slice %arg3[%dma_wait3A_13, %dma_wait3A_14] : memref<100000x2048xf32, #tpu.memory_space<hbm>> -> memref<100000x2048xf32, #tpu.memory_space<hbm>>
    tpu.wait_indirect_dma semaphore(%arg8 : memref<!tpu.dma_semaphore, #tpu.memory_space<semaphore_mem>>) src(%dma_wait3A_15 : memref<100000x2048xf32, #tpu.memory_space<hbm>>) dst(%arg6 : memref<16x2048xf32, #tpu.memory_space<vmem>>)
    %add3A_16 = arith.constant 0 : i32
    %add3A_17 = arith.addi %mul3A_2, %add3A_16 : i32
    "tpu.region"() ({
      %run_scoped3A = tpu.sem_alloc : memref<!tpu.dma_semaphore, #tpu.memory_space<semaphore_mem>>
      %dma_start3A_49 = arith.constant 0 : i32
      %dma_start3A_50 = tpu.memref_slice %arg4[%add3A_17, %dma_start3A_49] : memref<2048x2048xf32, #tpu.memory_space<hbm>> -> memref<16x2048xf32, #tpu.memory_space<hbm>>
      %dma_start3A_51 = arith.constant 0 : i32
      %dma_start3A_52 = tpu.memref_slice %arg4[%add3A_17, %dma_start3A_51] : memref<2048x2048xf32, #tpu.memory_space<hbm>> -> memref<16x2048xf32, #tpu.memory_space<hbm>>
      tpu.enqueue_dma source(%arg6 : memref<16x2048xf32, #tpu.memory_space<vmem>>) target(%dma_start3A_52 : memref<16x2048xf32, #tpu.memory_space<hbm>>) target_semaphore(%run_scoped3A : memref<!tpu.dma_semaphore, #tpu.memory_space<semaphore_mem>>)
      %dma_wait3A_53 = arith.constant 0 : i32
      %dma_wait3A_54 = tpu.memref_slice %arg4[%add3A_17, %dma_wait3A_53] : memref<2048x2048xf32, #tpu.memory_space<hbm>> -> memref<16x2048xf32, #tpu.memory_space<hbm>>
      %dma_wait3A_55 = arith.constant 0 : i32
      %dma_wait3A_56 = tpu.memref_slice %arg4[%add3A_17, %dma_wait3A_55] : memref<2048x2048xf32, #tpu.memory_space<hbm>> -> memref<16x2048xf32, #tpu.memory_space<hbm>>
      tpu.wait_dma2 semaphore(%run_scoped3A : memref<!tpu.dma_semaphore, #tpu.memory_space<semaphore_mem>>) src(%arg6 : memref<16x2048xf32, #tpu.memory_space<vmem>>) dst(%dma_wait3A_56 : memref<16x2048xf32, #tpu.memory_space<hbm>>)
      tpu.yield
    }) : () -> ()
    %dma_start3A_18 = arith.constant 32 : i32
    %dma_start3A_19 = tpu.memref_slice %arg5[%dma_start3A_18] : memref<64xi32, #tpu.memory_space<vmem>> -> memref<16xi32, #tpu.memory_space<vmem>>
    %dma_start3A_20 = arith.constant 0 : i32
    %dma_start3A_21 = arith.constant 0 : i32
    %dma_start3A_22 = tpu.memref_slice %arg3[%dma_start3A_20, %dma_start3A_21] : memref<100000x2048xf32, #tpu.memory_space<hbm>> -> memref<100000x2048xf32, #tpu.memory_space<hbm>>
    tpu.enqueue_indirect_dma source(%dma_start3A_22 : memref<100000x2048xf32, #tpu.memory_space<hbm>>) target(%arg6 : memref<16x2048xf32, #tpu.memory_space<vmem>>) offsets(%dma_start3A_19 : memref<16xi32, #tpu.memory_space<vmem>>) semaphore(%arg8 : memref<!tpu.dma_semaphore, #tpu.memory_space<semaphore_mem>>)
    %dma_wait3A_23 = arith.constant 16 : i32
    %dma_wait3A_24 = tpu.memref_slice %arg5[%dma_wait3A_23] : memref<64xi32, #tpu.memory_space<vmem>> -> memref<16xi32, #tpu.memory_space<vmem>>
    %dma_wait3A_25 = arith.constant 0 : i32
    %dma_wait3A_26 = arith.constant 0 : i32
    %dma_wait3A_27 = tpu.memref_slice %arg3[%dma_wait3A_25, %dma_wait3A_26] : memref<100000x2048xf32, #tpu.memory_space<hbm>> -> memref<100000x2048xf32, #tpu.memory_space<hbm>>
    tpu.wait_indirect_dma semaphore(%arg9 : memref<!tpu.dma_semaphore, #tpu.memory_space<semaphore_mem>>) src(%dma_wait3A_27 : memref<100000x2048xf32, #tpu.memory_space<hbm>>) dst(%arg7 : memref<16x2048xf32, #tpu.memory_space<vmem>>)
    %add3A_28 = arith.constant 16 : i32
    %add3A_29 = arith.addi %mul3A_2, %add3A_28 : i32
    "tpu.region"() ({
      %run_scoped3A = tpu.sem_alloc : memref<!tpu.dma_semaphore, #tpu.memory_space<semaphore_mem>>
      %dma_start3A_49 = arith.constant 0 : i32
      %dma_start3A_50 = tpu.memref_slice %arg4[%add3A_29, %dma_start3A_49] : memref<2048x2048xf32, #tpu.memory_space<hbm>> -> memref<16x2048xf32, #tpu.memory_space<hbm>>
      %dma_start3A_51 = arith.constant 0 : i32
      %dma_start3A_52 = tpu.memref_slice %arg4[%add3A_29, %dma_start3A_51] : memref<2048x2048xf32, #tpu.memory_space<hbm>> -> memref<16x2048xf32, #tpu.memory_space<hbm>>
      tpu.enqueue_dma source(%arg7 : memref<16x2048xf32, #tpu.memory_space<vmem>>) target(%dma_start3A_52 : memref<16x2048xf32, #tpu.memory_space<hbm>>) target_semaphore(%run_scoped3A : memref<!tpu.dma_semaphore, #tpu.memory_space<semaphore_mem>>)
      %dma_wait3A_53 = arith.constant 0 : i32
      %dma_wait3A_54 = tpu.memref_slice %arg4[%add3A_29, %dma_wait3A_53] : memref<2048x2048xf32, #tpu.memory_space<hbm>> -> memref<16x2048xf32, #tpu.memory_space<hbm>>
      %dma_wait3A_55 = arith.constant 0 : i32
      %dma_wait3A_56 = tpu.memref_slice %arg4[%add3A_29, %dma_wait3A_55] : memref<2048x2048xf32, #tpu.memory_space<hbm>> -> memref<16x2048xf32, #tpu.memory_space<hbm>>
      tpu.wait_dma2 semaphore(%run_scoped3A : memref<!tpu.dma_semaphore, #tpu.memory_space<semaphore_mem>>) src(%arg7 : memref<16x2048xf32, #tpu.memory_space<vmem>>) dst(%dma_wait3A_56 : memref<16x2048xf32, #tpu.memory_space<hbm>>)
      tpu.yield
    }) : () -> ()
    %dma_start3A_30 = arith.constant 48 : i32
    %dma_start3A_31 = tpu.memref_slice %arg5[%dma_start3A_30] : memref<64xi32, #tpu.memory_space<vmem>> -> memref<16xi32, #tpu.memory_space<vmem>>
    %dma_start3A_32 = arith.constant 0 : i32
    %dma_start3A_33 = arith.constant 0 : i32
    %dma_start3A_34 = tpu.memref_slice %arg3[%dma_start3A_32, %dma_start3A_33] : memref<100000x2048xf32, #tpu.memory_space<hbm>> -> memref<100000x2048xf32, #tpu.memory_space<hbm>>
    tpu.enqueue_indirect_dma source(%dma_start3A_34 : memref<100000x2048xf32, #tpu.memory_space<hbm>>) target(%arg7 : memref<16x2048xf32, #tpu.memory_space<vmem>>) offsets(%dma_start3A_31 : memref<16xi32, #tpu.memory_space<vmem>>) semaphore(%arg9 : memref<!tpu.dma_semaphore, #tpu.memory_space<semaphore_mem>>)
    %dma_wait3A_35 = arith.constant 32 : i32
    %dma_wait3A_36 = tpu.memref_slice %arg5[%dma_wait3A_35] : memref<64xi32, #tpu.memory_space<vmem>> -> memref<16xi32, #tpu.memory_space<vmem>>
    %dma_wait3A_37 = arith.constant 0 : i32
    %dma_wait3A_38 = arith.constant 0 : i32
    %dma_wait3A_39 = tpu.memref_slice %arg3[%dma_wait3A_37, %dma_wait3A_38] : memref<100000x2048xf32, #tpu.memory_space<hbm>> -> memref<100000x2048xf32, #tpu.memory_space<hbm>>
    tpu.wait_indirect_dma semaphore(%arg8 : memref<!tpu.dma_semaphore, #tpu.memory_space<semaphore_mem>>) src(%dma_wait3A_39 : memref<100000x2048xf32, #tpu.memory_space<hbm>>) dst(%arg6 : memref<16x2048xf32, #tpu.memory_space<vmem>>)
    %add3A_40 = arith.constant 32 : i32
    %add3A_41 = arith.addi %mul3A_2, %add3A_40 : i32
    "tpu.region"() ({
      %run_scoped3A = tpu.sem_alloc : memref<!tpu.dma_semaphore, #tpu.memory_space<semaphore_mem>>
      %dma_start3A_49 = arith.constant 0 : i32
      %dma_start3A_50 = tpu.memref_slice %arg4[%add3A_41, %dma_start3A_49] : memref<2048x2048xf32, #tpu.memory_space<hbm>> -> memref<16x2048xf32, #tpu.memory_space<hbm>>
      %dma_start3A_51 = arith.constant 0 : i32
      %dma_start3A_52 = tpu.memref_slice %arg4[%add3A_41, %dma_start3A_51] : memref<2048x2048xf32, #tpu.memory_space<hbm>> -> memref<16x2048xf32, #tpu.memory_space<hbm>>
      tpu.enqueue_dma source(%arg6 : memref<16x2048xf32, #tpu.memory_space<vmem>>) target(%dma_start3A_52 : memref<16x2048xf32, #tpu.memory_space<hbm>>) target_semaphore(%run_scoped3A : memref<!tpu.dma_semaphore, #tpu.memory_space<semaphore_mem>>)
      %dma_wait3A_53 = arith.constant 0 : i32
      %dma_wait3A_54 = tpu.memref_slice %arg4[%add3A_41, %dma_wait3A_53] : memref<2048x2048xf32, #tpu.memory_space<hbm>> -> memref<16x2048xf32, #tpu.memory_space<hbm>>
      %dma_wait3A_55 = arith.constant 0 : i32
      %dma_wait3A_56 = tpu.memref_slice %arg4[%add3A_41, %dma_wait3A_55] : memref<2048x2048xf32, #tpu.memory_space<hbm>> -> memref<16x2048xf32, #tpu.memory_space<hbm>>
      tpu.wait_dma2 semaphore(%run_scoped3A : memref<!tpu.dma_semaphore, #tpu.memory_space<semaphore_mem>>) src(%arg6 : memref<16x2048xf32, #tpu.memory_space<vmem>>) dst(%dma_wait3A_56 : memref<16x2048xf32, #tpu.memory_space<hbm>>)
      tpu.yield
    }) : () -> ()
    %dma_wait3A_42 = arith.constant 48 : i32
    %dma_wait3A_43 = tpu.memref_slice %arg5[%dma_wait3A_42] : memref<64xi32, #tpu.memory_space<vmem>> -> memref<16xi32, #tpu.memory_space<vmem>>
    %dma_wait3A_44 = arith.constant 0 : i32
    %dma_wait3A_45 = arith.constant 0 : i32
    %dma_wait3A_46 = tpu.memref_slice %arg3[%dma_wait3A_44, %dma_wait3A_45] : memref<100000x2048xf32, #tpu.memory_space<hbm>> -> memref<100000x2048xf32, #tpu.memory_space<hbm>>
    tpu.wait_indirect_dma semaphore(%arg9 : memref<!tpu.dma_semaphore, #tpu.memory_space<semaphore_mem>>) src(%dma_wait3A_46 : memref<100000x2048xf32, #tpu.memory_space<hbm>>) dst(%arg7 : memref<16x2048xf32, #tpu.memory_space<vmem>>)
    %add3A_47 = arith.constant 48 : i32
    %add3A_48 = arith.addi %mul3A_2, %add3A_47 : i32
    "tpu.region"() ({
      %run_scoped3A = tpu.sem_alloc : memref<!tpu.dma_semaphore, #tpu.memory_space<semaphore_mem>>
      %dma_start3A_49 = arith.constant 0 : i32
      %dma_start3A_50 = tpu.memref_slice %arg4[%add3A_48, %dma_start3A_49] : memref<2048x2048xf32, #tpu.memory_space<hbm>> -> memref<16x2048xf32, #tpu.memory_space<hbm>>
      %dma_start3A_51 = arith.constant 0 : i32
      %dma_start3A_52 = tpu.memref_slice %arg4[%add3A_48, %dma_start3A_51] : memref<2048x2048xf32, #tpu.memory_space<hbm>> -> memref<16x2048xf32, #tpu.memory_space<hbm>>
      tpu.enqueue_dma source(%arg7 : memref<16x2048xf32, #tpu.memory_space<vmem>>) target(%dma_start3A_52 : memref<16x2048xf32, #tpu.memory_space<hbm>>) target_semaphore(%run_scoped3A : memref<!tpu.dma_semaphore, #tpu.memory_space<semaphore_mem>>)
      %dma_wait3A_53 = arith.constant 0 : i32
      %dma_wait3A_54 = tpu.memref_slice %arg4[%add3A_48, %dma_wait3A_53] : memref<2048x2048xf32, #tpu.memory_space<hbm>> -> memref<16x2048xf32, #tpu.memory_space<hbm>>
      %dma_wait3A_55 = arith.constant 0 : i32
      %dma_wait3A_56 = tpu.memref_slice %arg4[%add3A_48, %dma_wait3A_55] : memref<2048x2048xf32, #tpu.memory_space<hbm>> -> memref<16x2048xf32, #tpu.memory_space<hbm>>
      tpu.wait_dma2 semaphore(%run_scoped3A : memref<!tpu.dma_semaphore, #tpu.memory_space<semaphore_mem>>) src(%arg7 : memref<16x2048xf32, #tpu.memory_space<vmem>>) dst(%dma_wait3A_56 : memref<16x2048xf32, #tpu.memory_space<hbm>>)
      tpu.yield
    }) : () -> ()
    return
  }
}

module attributes {stable_mosaic.version = 14 : i64} {
  func.func @mm_body(%arg0: i32, %arg1: memref<1024x2048xf32, #tpu.memory_space<vmem>>, %arg2: memref<2048x2048xf32, #tpu.memory_space<vmem>>, %arg3: memref<1x2048xf32, #tpu.memory_space<vmem>>, %arg4: memref<1024x2048xf32, #tpu.memory_space<vmem>>) attributes {dimension_semantics = [#tpu.dimension_semantics<arbitrary>], iteration_bounds = array<i64: 2>, scalar_prefetch = 0 : i64, scratch_operands = 0 : i64, tpu.core_type = #tpu.core_type<tc>, window_params = [{transform_indices = @transform_0, window_bounds = array<i64: 1024, 2048>}, {pipeline_mode = #tpu.pipeline_mode<synchronous>, transform_indices = @transform_1, window_bounds = array<i64: 2048, 2048>}, {pipeline_mode = #tpu.pipeline_mode<synchronous>, transform_indices = @transform_2, window_bounds = array<i64: 1, 2048>}, {transform_indices = @transform_3, window_bounds = array<i64: 1024, 2048>}]} {
    %get3A = arith.constant 0 : index
    %get3A_0 = arith.constant 0 : index
    %get3A_1 = vector.load %arg1[%get3A, %get3A_0] : memref<1024x2048xf32, #tpu.memory_space<vmem>>, vector<1024x2048xf32>
    %get3A_2 = arith.constant 0 : index
    %get3A_3 = arith.constant 0 : index
    %get3A_4 = vector.load %arg2[%get3A_2, %get3A_3] : memref<2048x2048xf32, #tpu.memory_space<vmem>>, vector<2048x2048xf32>
    %dot_general3A = arith.constant dense<0.000000e+00> : vector<1024x2048xf32>
    %dot_general3A_5 = tpu.matmul %get3A_1, %get3A_4, %dot_general3A {dimension_numbers = #tpu.dot_dimension_numbers<[1], [1], [0], [0], [0, 0, 1, 0], [], []>, transpose_lhs_hint = false} : vector<1024x2048xf32>, vector<2048x2048xf32>, vector<1024x2048xf32> -> vector<1024x2048xf32>
    %get3A_6 = arith.constant 0 : index
    %get3A_7 = arith.constant 0 : index
    %get3A_8 = vector.load %arg3[%get3A_6, %get3A_7] : memref<1x2048xf32, #tpu.memory_space<vmem>>, vector<1x2048xf32>
    %add3A = vector.broadcast %get3A_8 : vector<1x2048xf32> to vector<1024x2048xf32>
    %add3A_9 = arith.addf %dot_general3A_5, %add3A : vector<1024x2048xf32>
    %swap3A = arith.constant 0 : index
    %swap3A_10 = arith.constant 0 : index
    %swap3A_11 = vector.load %arg4[%swap3A, %swap3A_10] : memref<1024x2048xf32, #tpu.memory_space<vmem>>, vector<1024x2048xf32>
    tpu.vector_store %arg4[%swap3A, %swap3A_10], %add3A_9 {strides = array<i32>} : memref<1024x2048xf32, #tpu.memory_space<vmem>>, vector<1024x2048xf32>,
    return
  }
  func.func @transform_0(%arg0: i32) -> (i32, i32) {
    %c0_i32 = arith.constant 0 : i32
    %c0_i32_0 = arith.constant 0 : i32
    return %arg0, %c0_i32 : i32, i32
  }
  func.func @transform_1(%arg0: i32) -> (i32, i32) {
    %c0_i32 = arith.constant 0 : i32
    %c0_i32_0 = arith.constant 0 : i32
    %c0_i32_1 = arith.constant 0 : i32
    return %c0_i32, %c0_i32_0 : i32, i32
  }
  func.func @transform_2(%arg0: i32) -> (i32, i32) {
    %c0_i32 = arith.constant 0 : i32
    %c0_i32_0 = arith.constant 0 : i32
    %c0_i32_1 = arith.constant 0 : i32
    return %c0_i32, %c0_i32_0 : i32, i32
  }
  func.func @transform_3(%arg0: i32) -> (i32, i32) {
    %c0_i32 = arith.constant 0 : i32
    %c0_i32_0 = arith.constant 0 : i32
    return %arg0, %c0_i32 : i32, i32
  }
}

</mosaic_0001>

<sc_bundles>
// kernel: kernel.4.cloned.1.call-start
scs
__scs_entry_jumppad:
0x0: {  	(pc) =	sbr.rel $0x88, $3  }
0x1: {  	(tag) =	ssettag $0x0;
	lr =	simm.s32 $0x1  }
0x2: {  	[smem:$0x3F9D] =	sst lr;
	_ =	strace $0xD0000000  }
0x3: {  	_ = 	snop  }
0x4: {  	_ = 	snop  }
0x5: {  	_ = 	snop  }
0x6: {  	_ = 	snop  }
0x7: {  	_ = 	snop  }
__scs_overlays_trampoline_lowered:
0x8: {  	[smem:$0x3FAC] =	sst s0  }
0x9: {  	[smem:$0x3FAD] =	sst s1  }
0xa: {  	[smem:$0x3FAE] =	sst s2  }
0xb: {  	[smem:$0x3FAF] =	sst s3  }
0xc: {  	[smem:$0x3FB0] =	sst s4  }
0xd: {  	[smem:$0x3FB1] =	sst s5  }
0xe: {  	[smem:$0x3FB2] =	sst s6  }
0xf: {  	[smem:$0x3FB3] =	sst s7  }
0x10: {  	[smem:$0x3FB4] =	sst s8  }
0x11: {  	[smem:$0x3FB5] =	sst s9;
	s0 =	simm.s32 @!p0 $0x0  }
0x12: {  	s1 =	sld [smem:$0x3F9B];
	s0 =	simm.s32 @p0 $0x1  }
0x13: {  	[smem:$0x3FB6] =	sst s0;
	s0 =	simm.s32 @!p1 $0x0  }
0x14: {  	s2 =	sld [smem:$0x3F9A];
	s0 =	simm.s32 @p1 $0x1  }
0x15: {  	[smem:$0x3FB7] =	sst s0;
	s0 =	simm.s32 @!p2 $0x0  }
0x16: {  	s3 =	sld [smem:$0x3FDB];
	s0 =	simm.s32 @p2 $0x1  }
0x17: {  	s4 =	simm.s32 $0x1BF5;
	[smem:$0x3FB9] =	sst s0  }
0x18: {  	s0 =	sld [smem:$0x3F9C];
	_ =	swait.ge [sflag:s4], $0x0  }
0x19: {  	s7 =	sld [smem:$0x3F9D]  }
0x1a: {  	s8 =	sadd.s32 $0xFFFFE003, lr  }
0x1b: {  	s9 =	sadd.s32 $0xFFFFFEF7, lr;
	s5 =	simm.s32 $0xFFFFFFFF;
	p2 =	slt.u32 s8, $0xFFFFF086  }
0x1c: {  	p1 =	slt.u32 s9, $0xF7A;
	s5 =	simm.s32 @!p2 $0x0  }
0x1d: {  	s5 =	simm.s32 @p1 $0x1;
	p0 =	seq.s32 s7, s2  }
0x1e: {  	s7 =	smul.u32 @!p0 $0xF7A, s2;
	p2 =	seq.s32 @!p0 s5, $0x0  }
0x1f: {  	s9 =	smul.u32 $0xF7A, s1;
	s8 =	simm.s32 @!p0 $0x1BF5;
	p2 =	por !p2, p0  }
0x20: {  	[sflag:s8] =	ssyncset.s32 @!p0 $0xFFFFF086;
	s6 =	sadd.s32 @!p0 s3, s7;
	s7 =	simm.s32 @!p0 $0x108  }
0x21: {  	s3 =	sadd.s32 s3, s9;
	s6 =	sadd.s32 @!p0 $0x88, s6;
	s7 =	simm.s32 @p2 $0x1082  }
0x22: {  	[simem:s7], [sflag:s8] =	dma.local @!p0 [hbm:s6], $0xF7A  }
0x23: {  	s9 =	sor.u32 $0xD0000000, s2;
	s6 =	simm.s32 $0x108;
	_ =	swait.ge @!p0 [sflag:s8], $0x0  }
0x24: {  	s3 =	sadd.s32 $0x88, s3;
	s6 =	simm.s32 @!p1 $0x1082;
	[sflag:s4] =	ssyncset.s32 $0xFFFFF086  }
0x25: {  	[simem:s6], [sflag:s4] =	dma.local [hbm:s3], $0xF7A  }
0x26: {  	[smem:$0x3F9D] =	sst s1;
	(tag) =	ssettag s2;
	_ =	strace s9  }
0x27: {  	s1 =	sld [smem:$0x3FAD]  }
0x28: {  	s2 =	sld [smem:$0x3FAE]  }
0x29: {  	s4 =	sld [smem:$0x3FB0]  }
0x2a: {  	p0 =	seq.s32 s5, $0x0;
	s5 =	sld [smem:$0x3FB1]  }
0x2b: {  	s6 =	sld [smem:$0x3FB2]  }
0x2c: {  	s7 =	sld [smem:$0x3FB3]  }
0x2d: {  	s3 =	simm.s32 $0x108;
	s8 =	sld [smem:$0x3FB4]  }
0x2e: {  	s3 =	simm.s32 @!p0 $0x1082;
	s9 =	sld [smem:$0x3FB5]  }
0x2f: {  	lr =	sadd.s32 s0, s3;
	s0 =	sld [smem:$0x3FAC]  }
0x30: {  	s3 =	sld [smem:$0x3FAF]  }
0x31: {  	[smem:$0x3FB8] =	sst s10  }
0x32: {  	s10 =	sld [smem:$0x3FB6];
	_ =	sdelay $0x3  }
0x33: {  	p0 =	seq.s32 s10, $0x1;
	s10 =	sld [smem:$0x3FB8];
	_ =	sdelay $0x3  }
0x34: {  	[smem:$0x3FB8] =	sst s10  }
0x35: {  	s10 =	sld [smem:$0x3FB7];
	_ =	sdelay $0x3  }
0x36: {  	p1 =	seq.s32 s10, $0x1;
	s10 =	sld [smem:$0x3FB8];
	_ =	sdelay $0x3  }
0x37: {  	[smem:$0x3FB8] =	sst s10  }
0x38: {  	s10 =	sld [smem:$0x3FB9]  }
0x39: {  	_ = 	snop;
	(pc) =	sbr.ind lr, $3  }
0x3a: {  	_ = 	snop  }
0x3b: {  	_ = 	snop  }
0x3c: {  	p2 =	seq.s32 s10, $0x1;
	s10 =	sld [smem:$0x3FB8]  }
0x3d: {  	_ =	shalt  }
0x3e: {  	_ =	shalt  }
0x3f: {  	_ =	shalt  }
0x40: {  	_ =	shalt  }
0x41: {  	_ =	shalt  }
0x42: {  	_ =	shalt  }
0x43: {  	_ =	shalt  }
0x44: {  	_ =	shalt  }
0x45: {  	_ =	shalt  }
0x46: {  	_ =	shalt  }
0x47: {  	_ =	shalt  }
0x48: {  	_ =	shalt  }
0x49: {  	_ =	shalt  }
0x4a: {  	_ =	shalt  }
0x4b: {  	_ =	shalt  }
0x4c: {  	_ =	shalt  }
0x4d: {  	_ =	shalt  }
0x4e: {  	_ =	shalt  }
0x4f: {  	_ =	shalt  }
0x50: {  	_ =	shalt  }
0x51: {  	_ =	shalt  }
0x52: {  	_ =	shalt  }
0x53: {  	_ =	shalt  }
0x54: {  	_ =	shalt  }
0x55: {  	_ =	shalt  }
0x56: {  	_ =	shalt  }
0x57: {  	_ =	shalt  }
0x58: {  	_ =	shalt  }
0x59: {  	_ =	shalt  }
0x5a: {  	_ =	shalt  }
0x5b: {  	_ =	shalt  }
0x5c: {  	_ =	shalt  }
0x5d: {  	_ =	shalt  }
0x5e: {  	_ =	shalt  }
0x5f: {  	_ =	shalt  }
0x60: {  	_ =	shalt  }
0x61: {  	_ =	shalt  }
0x62: {  	_ =	shalt  }
0x63: {  	_ =	shalt  }
0x64: {  	_ =	shalt  }
0x65: {  	_ =	shalt  }
0x66: {  	_ =	shalt  }
0x67: {  	_ =	shalt  }
0x68: {  	_ =	shalt  }
0x69: {  	_ =	shalt  }
0x6a: {  	_ =	shalt  }
0x6b: {  	_ =	shalt  }
0x6c: {  	_ =	shalt  }
0x6d: {  	_ =	shalt  }
0x6e: {  	_ =	shalt  }
0x6f: {  	_ =	shalt  }
0x70: {  	_ =	shalt  }
0x71: {  	_ =	shalt  }
0x72: {  	_ =	shalt  }
0x73: {  	_ =	shalt  }
0x74: {  	_ =	shalt  }
0x75: {  	_ =	shalt  }
0x76: {  	_ =	shalt  }
0x77: {  	_ =	shalt  }
0x78: {  	_ =	shalt  }
0x79: {  	_ =	shalt  }
0x7a: {  	_ =	shalt  }
0x7b: {  	_ =	shalt  }
0x7c: {  	_ =	shalt  }
0x7d: {  	_ =	shalt  }
0x7e: {  	_ =	shalt  }
0x7f: {  	_ =	shalt  }
0x80: {  	_ =	shalt  }
0x81: {  	_ =	shalt  }
0x82: {  	_ =	shalt  }
0x83: {  	_ =	shalt  }
0x84: {  	_ =	shalt  }
0x85: {  	_ =	shalt  }
0x86: {  	_ =	shalt  }
0x87: {  	_ =	shalt  }
.Lfunc_end0:
.L_simem_size_0:
called_computation_lowered:
.L_overlay_start_0:
0x88: {  	s2 =	sld [smem:$0x3FD9]  }
0x89: {  	s3 =	sld [smem:$0x3FFE];
	_ =	sdelay $0x1  }
0x8a: {  	s1 =	srdreg.scid  }
0x8b: {  	s0 =	sand.u32 $0x1, s1  }
0x8c: {  	s18 =	sshll.u32 s0, $0xA;
	s2 =	sadd.s32 s3, s2  }
0x8d: {  	s2 =	sadd.s32 s2, s18  }
0x8e: {  	[smem:$0x3FC4] =	sst s2  }
0x8f: {  	_ = 	snop  }
0x90: {  	s2 =	sld [smem:$0x3FC9]  }
0x91: {  	s19 =	sld [smem:$0x3FC8]  }
0x92: {  	s4 =	sld [smem:$0x3FD0];
	(tm) =	ssettm $0x1  }
0x93: {  	s5 =	sld [smem:$0x3FFB];
	_ =	sdelay $0x3  }
0x94: {  	_ =	strace s5  }
0x95: {  	s5 =	sld [smem:$0x3FFC];
	_ =	sdelay $0x3  }
0x96: {  	_ =	strace s5  }
0x97: {  	s5 =	sld [smem:$0x3FFD];
	_ =	sdelay $0x3  }
0x98: {  	_ =	strace s5  }
0x99: {  	_ =	strace $0x8FFFFFFF  }
0x9a: {  	s20 =	sld [smem:$0x3FDB];
	_ =	sdelay $0x1  }
0x9b: {  	s6 =	simm.s32 $_scs_section_size  }
0x9c: {  	s7 =	simm.s32 $_size__tile_overlayer_lowered;
	s8 =	simm.s32 $_tile_overlayer_lowered  }
0x9d: {  	s23 =	simm.s32 $0x1BFF;
	s22 =	sshll.u32 s8, $0x1;
	s5 =	sadd.s32 s6, s20  }
0x9e: {  	s9 =	simm.s32 $0x0;
	s21 =	sshll.u32 s7, $0x1;
	s7 =	sadd.s32 s22, s5  }
0x9f: {  	[timem:s9], [sflag:s23] =	dma.local [hbm:s7], s21  }
0xa0: {  	_ =	swait.ge [sflag:s23], s21  }
0xa1: {  	s6 =	ssub.s32 $0x0, s21;
	[sflag:s23] =	ssyncset.done $0x0  }
0xa2: {  	[sflag:s23] =	ssyncadd.s32 s6;
	_ =	sdelay $0x1  }
0xa3: {  	s24 =	simm.s32 $0x1B8B  }
0xa4: {  	_ =	swait.ge [sflag:s24], $0x1  }
0xa5: {  	[sflag:s24] =	ssyncset.done $0x0  }
0xa6: {  	s25 =	simm.s32 $0x1B8E;
	[sflag:s24] =	ssyncadd.s32 $0xFFFFFFFF  }
0xa7: {  	s26 =	simm.s32 $execute0_lowered;
	[smem:$0x3FD2] =	sst s25  }
0xa8: {  	s6 =	sshll.u32 s26, $0x1;
	_ =	strace $0x80000046;
	[dreg:$0x1] =	wrdreg $0xFFFFFFFF  }
0xa9: {  	s28 =	simm.s32 $_size_execute0_lowered;
	s5 =	sadd.s32 s5, s6;
	[dreg:$0x0] =	wrdreg $0x0  }
0xaa: {  	s6 =	sshll.u32 s28, $0x1;
	[dreg:$0x2] =	wrdreg s5  }
0xab: {  	[dreg:$0x3] =	wrdreg s6  }
0xac: {  	[dreg:$0x4] =	wrdreg $0xC0  }
0xad: {  	_ =	task [dreg:s9], $0x5FFFF  }
0xae: {  	[dreg:$0x1] =	wrdreg $0xFFFFFFFF  }
0xaf: {  	[dreg:$0x0] =	wrdreg $0x60  }
0xb0: {  	[dreg:$0x2] =	wrdreg s2  }
0xb1: {  	[dreg:$0x3] =	wrdreg s19  }
0xb2: {  	[dreg:$0x4] =	wrdreg s4  }
0xb3: {  	[dreg:$0x5] =	wrdreg $0x9  }
0xb4: {  	_ =	task.clear_ibuf [dreg:s9], $0x6FFFF;
	_ =	strace $0x90000046  }
0xb5: {  	s29 =	simm.s32 $0x9;
	_ =	strace $0x80000048  }
0xb6: {  	_ =	swait.ge [sflag:s29], $0x1  }
0xb7: {  	[sflag:s29] =	ssyncadd.s32 $0xFFFFFFFF  }
0xb8: {  	_ =	strace $0x90000048  }
0xb9: {  	_ =	sfence  }
0xba: {  	s30 =	sld [smem:$0x0];
	_ =	sdelay $0x2  }
0xbb: {  	s31 =	sshll.u32 s1, $0xD;
	s1 =	sshrl.u32 s1, $0x2  }
0xbc: {  	s3 =	sand.u32 $0x4000, s31;
	s1 =	sadd.s32 s1, s30  }
0xbd: {  	s0 =	sor.u32 s3, s0;
	s1 =	sshll.u32 s1, $0x11  }
0xbe: {  	s0 =	sor.u32 s1, s0  }
0xbf: {  	s0 =	sadd.s32 $0x8F2B, s0  }
0xc0: {  	[sflag:s0] =	ssyncadd.remote.s32 $0x1  }
0xc1: {  	_ =	sfence.sel $0xFFFF  }
0xc2: {  	[dreg:$0x0] =	wrdreg $0xFFFFFFFF;
	(pc) =	sbr.abs _section_cstart, $3  }
0xc3: {  	[dreg:$0x1] =	wrdreg $0xFFFFFFFF  }
0xc4: {  	_ =	task.clear_ibuf [dreg:s9], $0x2FFFF;
	_ =	strace $0x9FFFFFFF  }
0xc5: {  	(tm) =	ssettm $0x7FFFFFFF  }
tec
execute0_lowered:
.L_overlay_start_1:
0x0: {  	(tag) =	ssettag $0x1  }
0x1: {  	s0 =	rddreg [dreg:$0x0]  }
0x2: {  	s14 =	rddreg [dreg:$0x1]  }
0x3: {  	s1 =	rddreg [dreg:$0x2]  }
0x4: {  	s3 =	srdreg.scid;
	s5 =	stileid.u32;
	s13 =	simm.s32 $0x3  }
0x5: {  	s28 =	simm.s32 $0x1;
	s29 =	simm.s32 $0x2;
	s31 =	simm.s32 $0x80  }
0x6: {  	s15 =	simm.s32 $0x1880;
	s16 =	simm.s32 $0x2080;
	s17 =	simm.s32 $0x2880  }
0x7: {  	s18 =	simm.s32 $0x3080;
	s19 =	simm.s32 $0x3880;
	s20 =	simm.s32 $0x4080  }
0x8: {  	s21 =	simm.s32 $0x5080;
	s22 =	simm.s32 $0x5880;
	s23 =	simm.s32 $0x6080  }
0x9: {  	s2 =	simm.s32 $0x8080;
	s4 =	sand.u32 $0x1, s3;
	s3 =	simm.s32 $0x0  }
0xa: {  	s5 =	sshll.u32 s5, $0x7;
	s8 =	sadd.s32 $0x400, s14;
	s9 =	sadd.s32 $0x500, s14  }
0xb: {  	s10 =	sadd.s32 $0x600, s14;
	s11 =	sadd.s32 $0x700, s14;
	s6 =	sshll.u32 s4, $0x6  }
0xc: {  	[smem:$0x7FF] =	sst s3;
	s4 =	ssub.s32 $0x2, s4;
	s5 =	sor.u32 s6, s5  }
0xd: {  	_ =	strace $0x80000047;
	s24 =	sshrl.u32 s4, $0x1;
	s6 =	sadd.s32 $0x200, s14  }
0xe: {  	s7 =	sshrl.u32 s5, $0x3;
	s12 =	ssub.s32 s4, s24;
	s5 =	sshll.u32 s5, $0x8  }
0xf: {  	s4 =	sadd.s32 $0x100, s14;
	s24 =	simm.s32 $0x6880;
	s0 =	sadd.s32 s0, s7  }
0x10: {  	s1 =	sadd.s32 s1, s5;
	s7 =	sadd.s32 $0x300, s14;
	[dreg:$0x4] =	wrdreg s0  }
0x11: {  	s12 =	smax.u32 s12, $0x1;
	s25 =	sadd.s32 $0x1000, s1;
	[dreg:$0x8] =	wrdreg s1  }
0x12: {  	v2 =	vlaneseq.u32;
	s5 =	simm.s32 $0x4880;
	s26 =	sadd.s32 $0x2000, s1;
	[dreg:$0x5] =	wrdreg s25  }
0x13: {  	vm0 =	vmmov $0xffff;
	v1 =	vshrl.u32 v2, $0x3;
	s30 =	sadd.s32 $0x3000, s1;
	s1 =	simm.s32 $0x1080;
	[dreg:$0x6] =	wrdreg s26  }
0x14: {  	v0 =	vand.u32 $0x7, v2;
	v2 =	vor.u32 $0x8, v2;
	v1 =	vmul.u32 $0x8, v1;
	[dreg:$0x7] =	wrdreg s30;
	s25 =	simm.s32 $0x7080;
	s26 =	simm.s32 $0x7880  }
.LBB2_1:
0x15: {  	s30 =	rddreg [dreg:$0x4]  }
0x16: {  	[tilespmem:s3], [sflag:$0x3] =	stream.linear.gather [hbm4b:s30+s3], $0x40, $0x38;
	[tilespmem:$0x10080] =	vst v63  }
0x17: {  	_ =	swait.ge [sflag:s13], $0x40  }
0x18: {  	[sflag:s13] =	ssyncset.done $0x0  }
0x19: {  	[sflag:s13] =	ssyncadd.s32 $0xFFFFFFC0  }
0x1a: {  	v3 =	vld [tilespmem:$0x0];
	_ =	sdelay $0x4  }
0x1b: {  	v4 =	vshll.u32 v3, $0x4  }
0x1c: {  	v3 =	vand.u32 $0x7, v3;
	v4 =	vand.u32 $0xFFFFFF80, v4  }
0x1d: {  	v3 =	vor.u32 v3, v4  }
0x1e: {  	v4 =	vperm.xlane v3, v0;
	_ =	sdelay $0x1  }
0x1f: {  	v4 =	vadd.s32 v1, v4;
	_ =	sdelay $0x4  }
0x20: {  	[tilespmem:s31], [sflag:$0x1] =	stream.indirect_vreg.gather [hbm4b:s14+s3], $0x80, v4, vm0, $0xb8;
	[tilespmem:$0x10080] =	vst v63  }
0x21: {  	s0 =	simm.s32 $0x880  }
0x22: {  	[tilespmem:s0], [sflag:$0x1] =	stream.indirect_vreg.gather [hbm4b:s4+s3], $0x80, v4, vm0, $0xb8;
	[tilespmem:$0x10080] =	vst v63  }
0x23: {  	_ = 	snop  }
0x24: {  	[tilespmem:s1], [sflag:$0x1] =	stream.indirect_vreg.gather [hbm4b:s6+s3], $0x80, v4, vm0, $0xb8;
	[tilespmem:$0x10080] =	vst v63  }
0x25: {  	_ = 	snop  }
0x26: {  	[tilespmem:s15], [sflag:$0x1] =	stream.indirect_vreg.gather [hbm4b:s7+s3], $0x80, v4, vm0, $0xb8;
	[tilespmem:$0x10080] =	vst v63  }
0x27: {  	_ = 	snop  }
0x28: {  	[tilespmem:s16], [sflag:$0x1] =	stream.indirect_vreg.gather [hbm4b:s8+s3], $0x80, v4, vm0, $0xb8;
	[tilespmem:$0x10080] =	vst v63  }
0x29: {  	v3 =	vperm.xlane v3, v2  }
0x2a: {  	[tilespmem:s17], [sflag:$0x1] =	stream.indirect_vreg.gather [hbm4b:s9+s3], $0x80, v4, vm0, $0xb8;
	[tilespmem:$0x10080] =	vst v63  }
0x2b: {  	v3 =	vadd.s32 v1, v3  }
0x2c: {  	[tilespmem:s18], [sflag:$0x1] =	stream.indirect_vreg.gather [hbm4b:s10+s3], $0x80, v4, vm0, $0xb8;
	[tilespmem:$0x10080] =	vst v63  }
0x2d: {  	_ = 	snop  }
0x2e: {  	[tilespmem:s19], [sflag:$0x1] =	stream.indirect_vreg.gather [hbm4b:s11+s3], $0x80, v4, vm0, $0xb8;
	[tilespmem:$0x10080] =	vst v63  }
0x2f: {  	_ = 	snop  }
0x30: {  	[tilespmem:s20], [sflag:$0x1] =	stream.indirect_vreg.gather [hbm4b:s14+s3], $0x80, v3, vm0, $0xb8;
	[tilespmem:$0x10080] =	vst v63  }
0x31: {  	_ = 	snop  }
0x32: {  	[tilespmem:s5], [sflag:$0x1] =	stream.indirect_vreg.gather [hbm4b:s4+s3], $0x80, v3, vm0, $0xb8;
	[tilespmem:$0x10080] =	vst v63  }
0x33: {  	_ = 	snop  }
0x34: {  	[tilespmem:s21], [sflag:$0x1] =	stream.indirect_vreg.gather [hbm4b:s6+s3], $0x80, v3, vm0, $0xb8;
	[tilespmem:$0x10080] =	vst v63  }
0x35: {  	_ = 	snop  }
0x36: {  	[tilespmem:s22], [sflag:$0x1] =	stream.indirect_vreg.gather [hbm4b:s7+s3], $0x80, v3, vm0, $0xb8;
	[tilespmem:$0x10080] =	vst v63  }
0x37: {  	_ = 	snop  }
0x38: {  	[tilespmem:s23], [sflag:$0x1] =	stream.indirect_vreg.gather [hbm4b:s8+s3], $0x80, v3, vm0, $0xb8;
	[tilespmem:$0x10080] =	vst v63  }
0x39: {  	_ = 	snop  }
0x3a: {  	[tilespmem:s24], [sflag:$0x1] =	stream.indirect_vreg.gather [hbm4b:s9+s3], $0x80, v3, vm0, $0xb8;
	[tilespmem:$0x10080] =	vst v63  }
0x3b: {  	_ = 	snop  }
0x3c: {  	[tilespmem:s25], [sflag:$0x1] =	stream.indirect_vreg.gather [hbm4b:s10+s3], $0x80, v3, vm0, $0xb8;
	[tilespmem:$0x10080] =	vst v63  }
0x3d: {  	_ = 	snop  }
0x3e: {  	[tilespmem:s26], [sflag:$0x1] =	stream.indirect_vreg.gather [hbm4b:s11+s3], $0x80, v3, vm0, $0xb8;
	[tilespmem:$0x10080] =	vst v63  }
0x3f: {  	v3 =	vld [tilespmem:$0x10];
	_ =	sdelay $0x4  }
0x40: {  	v61 =	vshll.u32 v3, $0x4  }
0x41: {  	v3 =	vand.u32 $0x7, v3;
	v4 =	vand.u32 $0xFFFFFF80, v61  }
0x42: {  	v3 =	vor.u32 v3, v4  }
0x43: {  	v4 =	vperm.xlane v3, v0;
	_ =	sdelay $0x1  }
0x44: {  	v4 =	vadd.s32 v1, v4;
	_ =	sdelay $0x4  }
0x45: {  	[tilespmem:s2], [sflag:$0x2] =	stream.indirect_vreg.gather [hbm4b:s14+s3], $0x80, v4, vm0, $0xb8;
	[tilespmem:$0x10080] =	vst v63  }
0x46: {  	s30 =	simm.s32 $0x8880  }
0x47: {  	[tilespmem:s30], [sflag:$0x2] =	stream.indirect_vreg.gather [hbm4b:s4+s3], $0x80, v4, vm0, $0xb8;
	[tilespmem:$0x10080] =	vst v63  }
0x48: {  	s30 =	simm.s32 $0x9080  }
0x49: {  	[tilespmem:s30], [sflag:$0x2] =	stream.indirect_vreg.gather [hbm4b:s6+s3], $0x80, v4, vm0, $0xb8;
	[tilespmem:$0x10080] =	vst v63  }
0x4a: {  	s30 =	simm.s32 $0x9880  }
0x4b: {  	[tilespmem:s30], [sflag:$0x2] =	stream.indirect_vreg.gather [hbm4b:s7+s3], $0x80, v4, vm0, $0xb8;
	[tilespmem:$0x10080] =	vst v63  }
0x4c: {  	s30 =	simm.s32 $0xA080  }
0x4d: {  	[tilespmem:s30], [sflag:$0x2] =	stream.indirect_vreg.gather [hbm4b:s8+s3], $0x80, v4, vm0, $0xb8;
	[tilespmem:$0x10080] =	vst v63  }
0x4e: {  	v3 =	vperm.xlane v3, v2;
	s30 =	simm.s32 $0xA880  }
0x4f: {  	[tilespmem:s30], [sflag:$0x2] =	stream.indirect_vreg.gather [hbm4b:s9+s3], $0x80, v4, vm0, $0xb8;
	[tilespmem:$0x10080] =	vst v63  }
0x50: {  	v3 =	vadd.s32 v1, v3;
	s30 =	simm.s32 $0xB080  }
0x51: {  	[tilespmem:s30], [sflag:$0x2] =	stream.indirect_vreg.gather [hbm4b:s10+s3], $0x80, v4, vm0, $0xb8;
	[tilespmem:$0x10080] =	vst v63  }
0x52: {  	s30 =	simm.s32 $0xB880  }
0x53: {  	[tilespmem:s30], [sflag:$0x2] =	stream.indirect_vreg.gather [hbm4b:s11+s3], $0x80, v4, vm0, $0xb8;
	[tilespmem:$0x10080] =	vst v63  }
0x54: {  	s30 =	simm.s32 $0xC080  }
0x55: {  	[tilespmem:s30], [sflag:$0x2] =	stream.indirect_vreg.gather [hbm4b:s14+s3], $0x80, v3, vm0, $0xb8;
	[tilespmem:$0x10080] =	vst v63  }
0x56: {  	s30 =	simm.s32 $0xC880  }
0x57: {  	[tilespmem:s30], [sflag:$0x2] =	stream.indirect_vreg.gather [hbm4b:s4+s3], $0x80, v3, vm0, $0xb8;
	[tilespmem:$0x10080] =	vst v63  }
0x58: {  	s30 =	simm.s32 $0xD080  }
0x59: {  	[tilespmem:s30], [sflag:$0x2] =	stream.indirect_vreg.gather [hbm4b:s6+s3], $0x80, v3, vm0, $0xb8;
	[tilespmem:$0x10080] =	vst v63  }
0x5a: {  	s30 =	simm.s32 $0xD880  }
0x5b: {  	[tilespmem:s30], [sflag:$0x2] =	stream.indirect_vreg.gather [hbm4b:s7+s3], $0x80, v3, vm0, $0xb8;
	[tilespmem:$0x10080] =	vst v63  }
0x5c: {  	s30 =	simm.s32 $0xE080  }
0x5d: {  	[tilespmem:s30], [sflag:$0x2] =	stream.indirect_vreg.gather [hbm4b:s8+s3], $0x80, v3, vm0, $0xb8;
	[tilespmem:$0x10080] =	vst v63  }
0x5e: {  	s30 =	simm.s32 $0xE880  }
0x5f: {  	[tilespmem:s30], [sflag:$0x2] =	stream.indirect_vreg.gather [hbm4b:s9+s3], $0x80, v3, vm0, $0xb8;
	[tilespmem:$0x10080] =	vst v63  }
0x60: {  	s30 =	simm.s32 $0xF080  }
0x61: {  	[tilespmem:s30], [sflag:$0x2] =	stream.indirect_vreg.gather [hbm4b:s10+s3], $0x80, v3, vm0, $0xb8;
	[tilespmem:$0x10080] =	vst v63  }
0x62: {  	s30 =	simm.s32 $0xF880  }
0x63: {  	[tilespmem:s30], [sflag:$0x2] =	stream.indirect_vreg.gather [hbm4b:s11+s3], $0x80, v3, vm0, $0xb8;
	[tilespmem:$0x10080] =	vst v63  }
0x64: {  	_ =	swait.ge [sflag:s28], $0x8000  }
0x65: {  	[sflag:s28] =	ssyncset.done $0x0  }
0x66: {  	s30 =	rddreg [dreg:$0x8];
	[sflag:s28] =	ssyncadd.s32 $0xFFFF8000  }
0x67: {  	[hbm4b:s30+s3] =	stream.linear.scatter [tilespmem:s31], [sflag:$0x3], $0x8000, $0x38;
	[tilespmem:$0x10080] =	vst v63  }
0x68: {  	_ =	swait.ge [sflag:s13], $0x8000  }
0x69: {  	[sflag:s13] =	ssyncset.done $0x0  }
0x6a: {  	[sflag:s13] =	ssyncadd.s32 $0xFFFF8000  }
0x6b: {  	v3 =	vld [tilespmem:$0x20];
	_ =	sdelay $0x4  }
0x6c: {  	v62 =	vshll.u32 v3, $0x4  }
0x6d: {  	v3 =	vand.u32 $0x7, v3;
	v4 =	vand.u32 $0xFFFFFF80, v62  }
0x6e: {  	v3 =	vor.u32 v3, v4  }
0x6f: {  	v4 =	vperm.xlane v3, v0;
	_ =	sdelay $0x1  }
0x70: {  	v4 =	vadd.s32 v1, v4;
	_ =	sdelay $0x4  }
0x71: {  	[tilespmem:s31], [sflag:$0x1] =	stream.indirect_vreg.gather [hbm4b:s14+s3], $0x80, v4, vm0, $0xb8;
	[tilespmem:$0x10080] =	vst v63  }
0x72: {  	_ = 	snop  }
0x73: {  	[tilespmem:s0], [sflag:$0x1] =	stream.indirect_vreg.gather [hbm4b:s4+s3], $0x80, v4, vm0, $0xb8;
	[tilespmem:$0x10080] =	vst v63  }
0x74: {  	_ = 	snop  }
0x75: {  	[tilespmem:s1], [sflag:$0x1] =	stream.indirect_vreg.gather [hbm4b:s6+s3], $0x80, v4, vm0, $0xb8;
	[tilespmem:$0x10080] =	vst v63  }
0x76: {  	_ = 	snop  }
0x77: {  	[tilespmem:s15], [sflag:$0x1] =	stream.indirect_vreg.gather [hbm4b:s7+s3], $0x80, v4, vm0, $0xb8;
	[tilespmem:$0x10080] =	vst v63  }
0x78: {  	_ = 	snop  }
0x79: {  	[tilespmem:s16], [sflag:$0x1] =	stream.indirect_vreg.gather [hbm4b:s8+s3], $0x80, v4, vm0, $0xb8;
	[tilespmem:$0x10080] =	vst v63  }
0x7a: {  	v3 =	vperm.xlane v3, v2  }
0x7b: {  	[tilespmem:s17], [sflag:$0x1] =	stream.indirect_vreg.gather [hbm4b:s9+s3], $0x80, v4, vm0, $0xb8;
	[tilespmem:$0x10080] =	vst v63  }
0x7c: {  	v3 =	vadd.s32 v1, v3  }
0x7d: {  	[tilespmem:s18], [sflag:$0x1] =	stream.indirect_vreg.gather [hbm4b:s10+s3], $0x80, v4, vm0, $0xb8;
	[tilespmem:$0x10080] =	vst v63  }
0x7e: {  	_ = 	snop  }
0x7f: {  	[tilespmem:s19], [sflag:$0x1] =	stream.indirect_vreg.gather [hbm4b:s11+s3], $0x80, v4, vm0, $0xb8;
	[tilespmem:$0x10080] =	vst v63  }
0x80: {  	_ = 	snop  }
0x81: {  	[tilespmem:s20], [sflag:$0x1] =	stream.indirect_vreg.gather [hbm4b:s14+s3], $0x80, v3, vm0, $0xb8;
	[tilespmem:$0x10080] =	vst v63  }
0x82: {  	_ = 	snop  }
0x83: {  	[tilespmem:s5], [sflag:$0x1] =	stream.indirect_vreg.gather [hbm4b:s4+s3], $0x80, v3, vm0, $0xb8;
	[tilespmem:$0x10080] =	vst v63  }
0x84: {  	_ = 	snop  }
0x85: {  	[tilespmem:s21], [sflag:$0x1] =	stream.indirect_vreg.gather [hbm4b:s6+s3], $0x80, v3, vm0, $0xb8;
	[tilespmem:$0x10080] =	vst v63  }
0x86: {  	_ = 	snop  }
0x87: {  	[tilespmem:s22], [sflag:$0x1] =	stream.indirect_vreg.gather [hbm4b:s7+s3], $0x80, v3, vm0, $0xb8;
	[tilespmem:$0x10080] =	vst v63  }
0x88: {  	_ = 	snop  }
0x89: {  	[tilespmem:s23], [sflag:$0x1] =	stream.indirect_vreg.gather [hbm4b:s8+s3], $0x80, v3, vm0, $0xb8;
	[tilespmem:$0x10080] =	vst v63  }
0x8a: {  	_ = 	snop  }
0x8b: {  	[tilespmem:s24], [sflag:$0x1] =	stream.indirect_vreg.gather [hbm4b:s9+s3], $0x80, v3, vm0, $0xb8;
	[tilespmem:$0x10080] =	vst v63  }
0x8c: {  	_ = 	snop  }
0x8d: {  	[tilespmem:s25], [sflag:$0x1] =	stream.indirect_vreg.gather [hbm4b:s10+s3], $0x80, v3, vm0, $0xb8;
	[tilespmem:$0x10080] =	vst v63  }
0x8e: {  	_ = 	snop  }
0x8f: {  	[tilespmem:s26], [sflag:$0x1] =	stream.indirect_vreg.gather [hbm4b:s11+s3], $0x80, v3, vm0, $0xb8;
	[tilespmem:$0x10080] =	vst v63  }
0x90: {  	_ =	swait.ge [sflag:s29], $0x8000  }
0x91: {  	[sflag:s29] =	ssyncset.done $0x0  }
0x92: {  	s0 =	rddreg [dreg:$0x5];
	[sflag:s29] =	ssyncadd.s32 $0xFFFF8000  }
0x93: {  	[hbm4b:s0+s3] =	stream.linear.scatter [tilespmem:s2], [sflag:$0x3], $0x8000, $0x38;
	[tilespmem:$0x10080] =	vst v63  }
0x94: {  	_ =	swait.ge [sflag:s13], $0x8000  }
0x95: {  	[sflag:s13] =	ssyncset.done $0x0  }
0x96: {  	[sflag:s13] =	ssyncadd.s32 $0xFFFF8000  }
0x97: {  	v3 =	vld [tilespmem:$0x30];
	_ =	sdelay $0x4  }
0x98: {  	v63 =	vshll.u32 v3, $0x4  }
0x99: {  	v3 =	vand.u32 $0x7, v3;
	v4 =	vand.u32 $0xFFFFFF80, v63  }
0x9a: {  	v3 =	vor.u32 v3, v4  }
0x9b: {  	v4 =	vperm.xlane v3, v0;
	_ =	sdelay $0x1  }
0x9c: {  	v4 =	vadd.s32 v1, v4;
	_ =	sdelay $0x4  }
0x9d: {  	[tilespmem:s2], [sflag:$0x2] =	stream.indirect_vreg.gather [hbm4b:s14+s3], $0x80, v4, vm0, $0xb8;
	[tilespmem:$0x10080] =	vst v63  }
0x9e: {  	s30 =	simm.s32 $0x8880  }
0x9f: {  	[tilespmem:s30], [sflag:$0x2] =	stream.indirect_vreg.gather [hbm4b:s4+s3], $0x80, v4, vm0, $0xb8;
	[tilespmem:$0x10080] =	vst v63  }
0xa0: {  	s30 =	simm.s32 $0x9080  }
0xa1: {  	[tilespmem:s30], [sflag:$0x2] =	stream.indirect_vreg.gather [hbm4b:s6+s3], $0x80, v4, vm0, $0xb8;
	[tilespmem:$0x10080] =	vst v63  }
0xa2: {  	s30 =	simm.s32 $0x9880  }
0xa3: {  	[tilespmem:s30], [sflag:$0x2] =	stream.indirect_vreg.gather [hbm4b:s7+s3], $0x80, v4, vm0, $0xb8;
	[tilespmem:$0x10080] =	vst v63  }
0xa4: {  	s30 =	simm.s32 $0xA080  }
0xa5: {  	[tilespmem:s30], [sflag:$0x2] =	stream.indirect_vreg.gather [hbm4b:s8+s3], $0x80, v4, vm0, $0xb8;
	[tilespmem:$0x10080] =	vst v63  }
0xa6: {  	v3 =	vperm.xlane v3, v2;
	s30 =	simm.s32 $0xA880  }
0xa7: {  	[tilespmem:s30], [sflag:$0x2] =	stream.indirect_vreg.gather [hbm4b:s9+s3], $0x80, v4, vm0, $0xb8;
	[tilespmem:$0x10080] =	vst v63  }
0xa8: {  	v3 =	vadd.s32 v1, v3;
	s30 =	simm.s32 $0xB080  }
0xa9: {  	[tilespmem:s30], [sflag:$0x2] =	stream.indirect_vreg.gather [hbm4b:s10+s3], $0x80, v4, vm0, $0xb8;
	[tilespmem:$0x10080] =	vst v63  }
0xaa: {  	s30 =	simm.s32 $0xB880  }
0xab: {  	[tilespmem:s30], [sflag:$0x2] =	stream.indirect_vreg.gather [hbm4b:s11+s3], $0x80, v4, vm0, $0xb8;
	[tilespmem:$0x10080] =	vst v63  }
0xac: {  	s30 =	simm.s32 $0xC080  }
0xad: {  	[tilespmem:s30], [sflag:$0x2] =	stream.indirect_vreg.gather [hbm4b:s14+s3], $0x80, v3, vm0, $0xb8;
	[tilespmem:$0x10080] =	vst v63  }
0xae: {  	s30 =	simm.s32 $0xC880  }
0xaf: {  	[tilespmem:s30], [sflag:$0x2] =	stream.indirect_vreg.gather [hbm4b:s4+s3], $0x80, v3, vm0, $0xb8;
	[tilespmem:$0x10080] =	vst v63  }
0xb0: {  	s30 =	simm.s32 $0xD080  }
0xb1: {  	[tilespmem:s30], [sflag:$0x2] =	stream.indirect_vreg.gather [hbm4b:s6+s3], $0x80, v3, vm0, $0xb8;
	[tilespmem:$0x10080] =	vst v63  }
0xb2: {  	s30 =	simm.s32 $0xD880  }
0xb3: {  	[tilespmem:s30], [sflag:$0x2] =	stream.indirect_vreg.gather [hbm4b:s7+s3], $0x80, v3, vm0, $0xb8;
	[tilespmem:$0x10080] =	vst v63  }
0xb4: {  	s30 =	simm.s32 $0xE080  }
0xb5: {  	[tilespmem:s30], [sflag:$0x2] =	stream.indirect_vreg.gather [hbm4b:s8+s3], $0x80, v3, vm0, $0xb8;
	[tilespmem:$0x10080] =	vst v63  }
0xb6: {  	s30 =	simm.s32 $0xE880  }
0xb7: {  	[tilespmem:s30], [sflag:$0x2] =	stream.indirect_vreg.gather [hbm4b:s9+s3], $0x80, v3, vm0, $0xb8;
	[tilespmem:$0x10080] =	vst v63  }
0xb8: {  	s30 =	simm.s32 $0xF080  }
0xb9: {  	[tilespmem:s30], [sflag:$0x2] =	stream.indirect_vreg.gather [hbm4b:s10+s3], $0x80, v3, vm0, $0xb8;
	[tilespmem:$0x10080] =	vst v63  }
0xba: {  	s30 =	simm.s32 $0xF880  }
0xbb: {  	[tilespmem:s30], [sflag:$0x2] =	stream.indirect_vreg.gather [hbm4b:s11+s3], $0x80, v3, vm0, $0xb8;
	[tilespmem:$0x10080] =	vst v63  }
0xbc: {  	_ =	swait.ge [sflag:s28], $0x8000  }
0xbd: {  	[sflag:s28] =	ssyncset.done $0x0  }
0xbe: {  	s0 =	rddreg [dreg:$0x6];
	[sflag:s28] =	ssyncadd.s32 $0xFFFF8000  }
0xbf: {  	[hbm4b:s0+s3] =	stream.linear.scatter [tilespmem:s31], [sflag:$0x3], $0x8000, $0x38;
	[tilespmem:$0x10080] =	vst v63  }
0xc0: {  	_ =	swait.ge [sflag:s13], $0x8000  }
0xc1: {  	[sflag:s13] =	ssyncset.done $0x0  }
0xc2: {  	[sflag:s13] =	ssyncadd.s32 $0xFFFF8000  }
0xc3: {  	_ =	swait.ge [sflag:s29], $0x8000  }
0xc4: {  	p0 =	sne.s32 s12, $0x1;
	[sflag:s29] =	ssyncset.done $0x0  }
.Ltmp0:
0xc5: {  	s0 =	rddreg [dreg:$0x7];
	[sflag:s29] =	ssyncadd.s32 $0xFFFF8000;
	(pc) =	sbr.rel @p0 .LBB2_1-.Ltmp0, $4  }
0xc6: {  	[hbm4b:s0+s3] =	stream.linear.scatter [tilespmem:s2], [sflag:$0x3], $0x8000, $0x38;
	[tilespmem:$0x10080] =	vst v63  }
0xc7: {  	_ =	swait.ge [sflag:s13], $0x8000  }
0xc8: {  	[sflag:s13] =	ssyncset.done $0x0  }
0xc9: {  	s12 =	sadd.s32 $0xFFFFFFFF, s12;
	[sflag:s13] =	ssyncadd.s32 $0xFFFF8000  }
0xca: {  	_ =	sfence.sel $0x180000  }
0xcb: {  	[bflag:$0x0] =	sbarrier.arrive $0xFFFF  }
0xcc: {  	_ =	strace $0x90000047  }
0xcd: {  	s0 =	stileid.u32;
	[bflag:$0x2] =	sbarrier.arrive $0xFFFF  }
0xce: {  	p0 =	sne.s32 s0, $0x0;
	s0 =	rddreg [dreg:$0x3]  }
0xcf: {  	s0 =	sadd.s32 @!p0 $0x100000, s0  }
0xd0: {  	[sflag:s0] =	ssyncadd.tile.s32 @!p0 $0x1;
	_ =	shalt  }
.Lfunc_end2:
_tile_overlayer_lowered:
.L_overlay_start_2:
0xd1: {  	(tag) =	ssettag $0x2  }
0xd2: {  	s0 =	rddreg [dreg:$0x0];
	s2 =	stileid.u32  }
0xd3: {  	s1 =	rddreg [dreg:$0x1];
	p0 =	sne.s32 s2, $0x0  }
0xd4: {  	s3 =	rddreg [dreg:$0x2];
	[bflag:$0x3] =	sbarrier.arrive $0xFFFF;
	s2 =	simm.s32 @!p0 $0x1C03  }
0xd5: {  	[timem:s3], [sflag:s2] =	dma.local @!p0 [hbm:s0], s1  }
0xd6: {  	s0 =	simm.s32 @!p0 $0x3  }
0xd7: {  	_ =	swait.ge @!p0 [sflag:s0], s1  }
0xd8: {  	s1 =	ssub.s32 @!p0 $0x0, s1;
	[sflag:s0] =	ssyncset.done @!p0 $0x0  }
0xd9: {  	[sflag:s0] =	ssyncadd.s32 @!p0 s1  }
0xda: {  	[bflag:$0x3] =	sbarrier.arrive $0xFFFF  }
0xdb: {  	_ =	shalt  }

</sc_bundles>
